<compile_context>
chip_gen: v7x
topology: tpu7x:2x2x1
jax: 0.10.2.dev20260603
libtpu: 0.0.44.dev20260713+nightly
codegen_flags: <defaults>
</compile_context>

<pallas_src>
import functools

import jax
import jax.numpy as jnp
from jax.experimental import pallas as pl
from jax.experimental.pallas import tpu as pltpu
from jax.experimental.pallas import tpu_sc as plsc

B, N, DIM = 16, 1024, 768
CB, CD = 8192, 256
TOK = B * N
TT = 256
CT = 2048
NC = CB // CT
LN_EPS = 1e-5
COMMIT = 0.25

_BF = jnp.bfloat16
_NT = (((1,), (1,)), ((), ()))
_NN = (((1,), (0,)), ((), ()))


def _vq_main_kernel(h_ref, w1_ref, b1_ref, embb_ref,
                    esq_ref, idx_ref, mind_ref):
    flat = jax.lax.dot_general(h_ref[...], w1_ref[...],
                               _NN, preferred_element_type=jnp.float32)
    flat = flat + b1_ref[...]
    zsq = jnp.sum(flat * flat, axis=1, keepdims=True)
    flatb = flat.astype(_BF)

    rmin = None
    ridx = None
    for c in range(NC):
        em = embb_ref[c * CT:(c + 1) * CT, :]
        dot = jax.lax.dot_general(flatb, em, _NT,
                                  preferred_element_type=jnp.float32)
        dist = zsq - 2.0 * dot + esq_ref[:, c * CT:(c + 1) * CT]
        tmin = jnp.min(dist, axis=1, keepdims=True)
        targ = jnp.argmin(dist, axis=1, keepdims=True)
        targ = targ.astype(jnp.int32) + jnp.int32(c * CT)
        if c == 0:
            rmin, ridx = tmin, targ
        else:
            upd = tmin < rmin
            rmin = jnp.where(upd, tmin, rmin)
            ridx = jnp.where(upd, targ, ridx)

    idx_ref[...] = ridx
    mind_ref[...] = rmin


def _esq_kernel(embed_ref, esq_ref):
    em = embed_ref[...]
    esq_ref[...] = jnp.sum(em * em, axis=1, keepdims=True)


def _w2_kernel(zq_ref, w2_ref, b2_ref, out_ref):
    q = jax.lax.dot_general(zq_ref[...].astype(_BF), w2_ref[...],
                            _NN, preferred_element_type=jnp.float32)
    out_ref[...] = q + b2_ref[...]


_CPT = 1024
_GW = 128


_NWORK = 32
_BPW = TOK // _NWORK
_GCH = 64
_NBUF = 4
_NCHUNK = 1


def _sc_gather(ew, idx_flat):
    mesh = plsc.VectorSubcoreMesh(core_axis_name="c", subcore_axis_name="s")

    @functools.partial(
        pl.kernel, mesh=mesh,
        out_type=jax.ShapeDtypeStruct((TOK, CD), jnp.float32),
        scratch_types=(
            [pltpu.VMEM((_BPW,), jnp.int32)]
            + [pltpu.VMEM((_GCH, CD), jnp.float32) for _ in range(_NBUF)]
            + [pltpu.SemaphoreType.DMA for _ in range(2 * _NBUF)]
        ),
    )
    def _k(ew_hbm, idx_hbm, out_hbm, idx_v, *bufs_and_sems):
        bufs = bufs_and_sems[:_NBUF]
        gsem = bufs_and_sems[_NBUF:2 * _NBUF]
        wsem = bufs_and_sems[2 * _NBUF:]
        wid = jax.lax.axis_index("s") * 2 + jax.lax.axis_index("c")
        base = wid * _BPW
        pltpu.sync_copy(idx_hbm.at[pl.ds(base, _BPW)], idx_v)

        ghandles = [None] * _NCHUNK
        whandles = [None] * _NCHUNK
        for j in range(_NCHUNK):
            b = j % _NBUF
            if j >= _NBUF:
                whandles[j - _NBUF].wait()
            ghandles[j] = pltpu.async_copy(
                ew_hbm.at[idx_v.at[pl.ds(j * _GCH, _GCH)]], bufs[b], gsem[b])
            if j >= 1:
                jj = j - 1
                ghandles[jj].wait()
                whandles[jj] = pltpu.async_copy(
                    bufs[jj % _NBUF],
                    out_hbm.at[pl.ds(base + jj * _GCH, _GCH)], wsem[jj % _NBUF])
        jj = _NCHUNK - 1
        ghandles[jj].wait()
        whandles[jj] = pltpu.async_copy(
            bufs[jj % _NBUF], out_hbm.at[pl.ds(base + jj * _GCH, _GCH)],
            wsem[jj % _NBUF])
        for j in range(max(0, _NCHUNK - _NBUF), _NCHUNK):
            whandles[j].wait()

    return _k(ew, idx_flat)


def kernel(x, ln_gamma, ln_beta, W1, b1, embed, W2, b2):
    xf = x.reshape(TOK, DIM).astype(jnp.float32)
    mu = jnp.mean(xf, axis=-1, keepdims=True)
    var = jnp.mean((xf - mu) ** 2, axis=-1, keepdims=True)
    x_normed = (xf - mu) / jnp.sqrt(var + LN_EPS) * ln_gamma + ln_beta
    h = jax.nn.gelu(x_normed, approximate=False).astype(_BF)
    embb = embed.astype(_BF)
    w1b = W1.astype(_BF)

    esq2 = pl.pallas_call(
        _esq_kernel,
        grid=(CB // _CPT,),
        in_specs=[pl.BlockSpec((_CPT, CD), lambda i: (i, 0))],
        out_specs=pl.BlockSpec((_CPT, 1), lambda i: (i, 0)),
        out_shape=jax.ShapeDtypeStruct((CB, 1), jnp.float32),
    )(embed)

    esq_row = esq2.reshape(1, CB)

    idx, mind = pl.pallas_call(
        _vq_main_kernel,
        grid=(TOK // TT,),
        in_specs=[
            pl.BlockSpec((TT, DIM), lambda i: (i, 0)),
            pl.BlockSpec((DIM, CD), lambda i: (0, 0)),
            pl.BlockSpec((CD,), lambda i: (0,)),
            pl.BlockSpec((CB, CD), lambda i: (0, 0)),
            pl.BlockSpec((1, CB), lambda i: (0, 0)),
        ],
        out_specs=[
            pl.BlockSpec((TT, 1), lambda i: (i, 0)),
            pl.BlockSpec((TT, 1), lambda i: (i, 0)),
        ],
        out_shape=[
            jax.ShapeDtypeStruct((TOK, 1), jnp.int32),
            jax.ShapeDtypeStruct((TOK, 1), jnp.float32),
        ],
    )(h, w1b, b1, embb, esq_row)

    indices = idx.reshape(B, N)
    zq = _sc_gather(embed, idx.reshape(TOK))
    quantized = pl.pallas_call(
        _w2_kernel,
        grid=(TOK // TT,),
        in_specs=[
            pl.BlockSpec((TT, CD), lambda i: (i, 0)),
            pl.BlockSpec((CD, DIM), lambda i: (0, 0)),
            pl.BlockSpec((DIM,), lambda i: (0,)),
        ],
        out_specs=pl.BlockSpec((TT, DIM), lambda i: (i, 0)),
        out_shape=jax.ShapeDtypeStruct((TOK, DIM), jnp.float32),
    )(zq, W2.astype(_BF), b2).reshape(B, N, DIM)
    commitment_loss = COMMIT * (jnp.sum(mind) / (TOK * CD))
    return quantized, indices, commitment_loss

# --- scband reference (transcript-rebuilt; emitter-appended) ---
"""Pipeline reference for scband-vector-quantizer-19859928777081 (READ-ONLY COPY).

The authoritative reference and input builder live on the scoring server;
editing this copy changes nothing except your own understanding.
"""

import jax, jax.numpy as jnp
import numpy as np

B, N, DIM = 16, 1024, 768
CB_SIZE, CB_DIM = 8192, 256
COMMIT = 0.25
LN_EPS = 1e-5


def setup_inputs(seed: int = 0) -> dict:
    key = jax.random.key(seed)
    ks = jax.random.split(key, 6)
    x = jax.random.normal(ks[0], (B, N, DIM), dtype=jnp.float32)
    ln_gamma = jnp.ones((DIM,), dtype=jnp.float32)
    ln_beta = jnp.zeros((DIM,), dtype=jnp.float32)
    W1 = jax.random.normal(ks[1], (DIM, CB_DIM), dtype=jnp.float32) * 0.02
    b1 = jnp.zeros((CB_DIM,), dtype=jnp.float32)
    embed = jax.random.normal(ks[2], (CB_SIZE, CB_DIM), dtype=jnp.float32)
    W2 = jax.random.normal(ks[3], (CB_DIM, DIM), dtype=jnp.float32) * 0.02
    b2 = jnp.zeros((DIM,), dtype=jnp.float32)
    return {"x": x, "ln_gamma": ln_gamma, "ln_beta": ln_beta, "W1": W1, "b1": b1, "embed": embed, "W2": W2, "b2": b2}


def reference(x, ln_gamma, ln_beta, W1, b1, embed, W2, b2):
    b, n, d = x.shape
    xf = x.astype(jnp.float32)
    # LayerNorm (biased variance, eps=1e-5, affine)
    mu = jnp.mean(xf, axis=-1, keepdims=True)
    var = jnp.mean((xf - mu) ** 2, axis=-1, keepdims=True)
    x_normed = (xf - mu) / jnp.sqrt(var + LN_EPS) * ln_gamma + ln_beta
    # GELU (exact/erf, matching torch nn.GELU default) then Linear(dim -> codebook_dim)
    h = jax.nn.gelu(x_normed, approximate=False)
    z_e = h @ W1 + b1
    flat = z_e.reshape(-1, CB_DIM)
    # squared-distance matrix and nearest code
    z_e_sq = jnp.sum(flat ** 2, axis=1, keepdims=True)
    e_sq = jnp.sum(embed ** 2, axis=1, keepdims=True)
    dist = z_e_sq - 2.0 * (flat @ embed.T) + e_sq.T
    indices = jnp.argmin(dist, axis=1)
    z_q = embed[indices]
    # commitment loss (z_q detached)
    commitment_loss = COMMIT * jnp.mean((flat - jax.lax.stop_gradient(z_q)) ** 2)
    # straight-through estimator
    z_q_st = flat + jax.lax.stop_gradient(z_q - flat)
    z_q_st = z_q_st.reshape(b, n, CB_DIM)
    quantized = z_q_st @ W2 + b2
    return quantized, indices.reshape(b, n), commitment_loss

if __name__ == "__main__":
    import jax
    _d = setup_inputs()
    print(jax.jit(kernel)(*tuple(_d.values())))

</pallas_src>

<mosaic_0001>
#map = affine_map<(d0, d1) -> (0, 0)>
#map1 = affine_map<(d0, d1) -> (0)>
module attributes {stable_mosaic.version = 14 : i64} {
  func.func @_k(%arg0: i32, %arg1: i32, %arg2: memref<8192x256xf32, #tpu.memory_space<hbm>>, %arg3: memref<16384xi32, #tpu.memory_space<hbm>>, %arg4: memref<16384x256xf32, #tpu.memory_space<hbm>>, %arg5: memref<512xi32, #tpu.memory_space<vmem>>, %arg6: memref<64x256xf32, #tpu.memory_space<vmem>>, %arg7: memref<64x256xf32, #tpu.memory_space<vmem>>, %arg8: memref<64x256xf32, #tpu.memory_space<vmem>>, %arg9: memref<64x256xf32, #tpu.memory_space<vmem>>, %arg10: memref<!tpu.dma_semaphore, #tpu.memory_space<semaphore_mem>>, %arg11: memref<!tpu.dma_semaphore, #tpu.memory_space<semaphore_mem>>, %arg12: memref<!tpu.dma_semaphore, #tpu.memory_space<semaphore_mem>>, %arg13: memref<!tpu.dma_semaphore, #tpu.memory_space<semaphore_mem>>, %arg14: memref<!tpu.dma_semaphore, #tpu.memory_space<semaphore_mem>>, %arg15: memref<!tpu.dma_semaphore, #tpu.memory_space<semaphore_mem>>, %arg16: memref<!tpu.dma_semaphore, #tpu.memory_space<semaphore_mem>>, %arg17: memref<!tpu.dma_semaphore, #tpu.memory_space<semaphore_mem>>) attributes {dimension_semantics = [#tpu.dimension_semantics<core_parallel>, #tpu.dimension_semantics<subcore_parallel>], iteration_bounds = array<i64: 2, 16>, scalar_prefetch = 0 : i64, scratch_operands = 13 : i64, tpu.core_type = #tpu.core_type<sc_vector_subcore>, window_params = [{transform_indices = #map}, {transform_indices = #map1}, {transform_indices = #map}]} {
    %mul3A = arith.constant 2 : i32
    %mul3A_0 = arith.muli %arg1, %mul3A : i32
    %add3A = arith.addi %mul3A_0, %arg0 : i32
    %mul3A_1 = arith.constant 512 : i32
    %mul3A_2 = arith.muli %add3A, %mul3A_1 : i32
    "tpu.region"() ({
      %run_scoped3A = tpu.sem_alloc : memref<!tpu.dma_semaphore, #tpu.memory_space<semaphore_mem>>
      %dma_start3A_21 = tpu.memref_slice %arg3[%mul3A_2] : memref<16384xi32, #tpu.memory_space<hbm>> -> memref<512xi32, #tpu.memory_space<hbm>>
      %dma_start3A_22 = tpu.memref_slice %arg3[%mul3A_2] : memref<16384xi32, #tpu.memory_space<hbm>> -> memref<512xi32, #tpu.memory_space<hbm>>
      tpu.enqueue_dma source(%dma_start3A_22 : memref<512xi32, #tpu.memory_space<hbm>>) target(%arg5 : memref<512xi32, #tpu.memory_space<vmem>>) target_semaphore(%run_scoped3A : memref<!tpu.dma_semaphore, #tpu.memory_space<semaphore_mem>>)
      %dma_wait3A_23 = tpu.memref_slice %arg3[%mul3A_2] : memref<16384xi32, #tpu.memory_space<hbm>> -> memref<512xi32, #tpu.memory_space<hbm>>
      %dma_wait3A_24 = tpu.memref_slice %arg3[%mul3A_2] : memref<16384xi32, #tpu.memory_space<hbm>> -> memref<512xi32, #tpu.memory_space<hbm>>
      tpu.wait_dma2 semaphore(%run_scoped3A : memref<!tpu.dma_semaphore, #tpu.memory_space<semaphore_mem>>) src(%dma_wait3A_24 : memref<512xi32, #tpu.memory_space<hbm>>) dst(%arg5 : memref<512xi32, #tpu.memory_space<vmem>>)
      tpu.yield
    }) : () -> ()
    %dma_start3A = arith.constant 0 : i32
    %dma_start3A_3 = tpu.memref_slice %arg5[%dma_start3A] : memref<512xi32, #tpu.memory_space<vmem>> -> memref<64xi32, #tpu.memory_space<vmem>>
    %dma_start3A_4 = arith.constant 0 : i32
    %dma_start3A_5 = arith.constant 0 : i32
    %dma_start3A_6 = tpu.memref_slice %arg2[%dma_start3A_4, %dma_start3A_5] : memref<8192x256xf32, #tpu.memory_space<hbm>> -> memref<8192x256xf32, #tpu.memory_space<hbm>>
    tpu.enqueue_indirect_dma source(%dma_start3A_6 : memref<8192x256xf32, #tpu.memory_space<hbm>>) target(%arg6 : memref<64x256xf32, #tpu.memory_space<vmem>>) offsets(%dma_start3A_3 : memref<64xi32, #tpu.memory_space<vmem>>) semaphore(%arg10 : memref<!tpu.dma_semaphore, #tpu.memory_space<semaphore_mem>>)
    %dma_wait3A = arith.constant 0 : i32
    %dma_wait3A_7 = tpu.memref_slice %arg5[%dma_wait3A] : memref<512xi32, #tpu.memory_space<vmem>> -> memref<64xi32, #tpu.memory_space<vmem>>
    %dma_wait3A_8 = arith.constant 0 : i32
    %dma_wait3A_9 = arith.constant 0 : i32
    %dma_wait3A_10 = tpu.memref_slice %arg2[%dma_wait3A_8, %dma_wait3A_9] : memref<8192x256xf32, #tpu.memory_space<hbm>> -> memref<8192x256xf32, #tpu.memory_space<hbm>>
    tpu.wait_indirect_dma semaphore(%arg10 : memref<!tpu.dma_semaphore, #tpu.memory_space<semaphore_mem>>) src(%dma_wait3A_10 : memref<8192x256xf32, #tpu.memory_space<hbm>>) dst(%arg6 : memref<64x256xf32, #tpu.memory_space<vmem>>)
    %add3A_11 = arith.constant 0 : i32
    %add3A_12 = arith.addi %mul3A_2, %add3A_11 : i32
    %dma_start3A_13 = arith.constant 0 : i32
    %dma_start3A_14 = tpu.memref_slice %arg4[%add3A_12, %dma_start3A_13] : memref<16384x256xf32, #tpu.memory_space<hbm>> -> memref<64x256xf32, #tpu.memory_space<hbm>>
    %dma_start3A_15 = arith.constant 0 : i32
    %dma_start3A_16 = tpu.memref_slice %arg4[%add3A_12, %dma_start3A_15] : memref<16384x256xf32, #tpu.memory_space<hbm>> -> memref<64x256xf32, #tpu.memory_space<hbm>>
    tpu.enqueue_dma source(%arg6 : memref<64x256xf32, #tpu.memory_space<vmem>>) target(%dma_start3A_16 : memref<64x256xf32, #tpu.memory_space<hbm>>) target_semaphore(%arg14 : memref<!tpu.dma_semaphore, #tpu.memory_space<semaphore_mem>>)
    %dma_wait3A_17 = arith.constant 0 : i32
    %dma_wait3A_18 = tpu.memref_slice %arg4[%add3A_12, %dma_wait3A_17] : memref<16384x256xf32, #tpu.memory_space<hbm>> -> memref<64x256xf32, #tpu.memory_space<hbm>>
    %dma_wait3A_19 = arith.constant 0 : i32
    %dma_wait3A_20 = tpu.memref_slice %arg4[%add3A_12, %dma_wait3A_19] : memref<16384x256xf32, #tpu.memory_space<hbm>> -> memref<64x256xf32, #tpu.memory_space<hbm>>
    tpu.wait_dma2 semaphore(%arg14 : memref<!tpu.dma_semaphore, #tpu.memory_space<semaphore_mem>>) src(%arg6 : memref<64x256xf32, #tpu.memory_space<vmem>>) dst(%dma_wait3A_20 : memref<64x256xf32, #tpu.memory_space<hbm>>)
    return
  }
}

module attributes {stable_mosaic.version = 14 : i64} {
  func.func @_esq_kernel(%arg0: i32, %arg1: memref<1024x256xf32, #tpu.memory_space<vmem>>, %arg2: memref<1024x1xf32, #tpu.memory_space<vmem>>) attributes {dimension_semantics = [#tpu.dimension_semantics<arbitrary>], iteration_bounds = array<i64: 8>, scalar_prefetch = 0 : i64, scratch_operands = 0 : i64, tpu.core_type = #tpu.core_type<tc>, window_params = [{transform_indices = @transform_0, window_bounds = array<i64: 1024, 256>}, {transform_indices = @transform_1, window_bounds = array<i64: 1024, 1>}]} {
    %get3A = arith.constant 0 : index
    %get3A_0 = arith.constant 0 : index
    %get3A_1 = vector.load %arg1[%get3A, %get3A_0] : memref<1024x256xf32, #tpu.memory_space<vmem>>, vector<1024x256xf32>
    %mul3A = arith.mulf %get3A_1, %get3A_1 : vector<1024x256xf32>
    %reduce_sum3A = arith.constant dense<0.000000e+00> : vector<1024xf32>
    %reduce_sum3A_2 = vector.multi_reduction <add>, %mul3A, %reduce_sum3A [1] : vector<1024x256xf32> to vector<1024xf32>
    %broadcast_in_dim3A = vector.shape_cast %reduce_sum3A_2 : vector<1024xf32> to vector<1024x1xf32>
    %swap3A = arith.constant 0 : index
    %swap3A_3 = arith.constant 0 : index
    %swap3A_4 = vector.load %arg2[%swap3A, %swap3A_3] : memref<1024x1xf32, #tpu.memory_space<vmem>>, vector<1024x1xf32>
    tpu.vector_store %arg2[%swap3A, %swap3A_3], %broadcast_in_dim3A {strides = array<i32>} : memref<1024x1xf32, #tpu.memory_space<vmem>>, vector<1024x1xf32>,
    return
  }
  func.func @transform_0(%arg0: i32) -> (i32, i32) {
    %c0_i32 = arith.constant 0 : i32
    %c0_i32_0 = arith.constant 0 : i32
    return %arg0, %c0_i32 : i32, i32
  }
  func.func @transform_1(%arg0: i32) -> (i32, i32) {
    %c0_i32 = arith.constant 0 : i32
    %c0_i32_0 = arith.constant 0 : i32
    return %arg0, %c0_i32 : i32, i32
  }
}

module attributes {stable_mosaic.version = 14 : i64} {
  func.func @_vq_main_kernel(%arg0: i32, %arg1: memref<256x768xbf16, #tpu.memory_space<vmem>>, %arg2: memref<768x256xbf16, #tpu.memory_space<vmem>>, %arg3: memref<256xf32, #tpu.memory_space<vmem>>, %arg4: memref<8192x256xbf16, #tpu.memory_space<vmem>>, %arg5: memref<1x8192xf32, #tpu.memory_space<vmem>>, %arg6: memref<256x1xi32, #tpu.memory_space<vmem>>, %arg7: memref<256x1xf32, #tpu.memory_space<vmem>>) attributes {dimension_semantics = [#tpu.dimension_semantics<arbitrary>], iteration_bounds = array<i64: 64>, scalar_prefetch = 0 : i64, scratch_operands = 0 : i64, tpu.core_type = #tpu.core_type<tc>, window_params = [{transform_indices = @transform_0, window_bounds = array<i64: 256, 768>}, {pipeline_mode = #tpu.pipeline_mode<synchronous>, transform_indices = @transform_1, window_bounds = array<i64: 768, 256>}, {pipeline_mode = #tpu.pipeline_mode<synchronous>, transform_indices = @transform_2, window_bounds = array<i64: 256>}, {pipeline_mode = #tpu.pipeline_mode<synchronous>, transform_indices = @transform_3, window_bounds = array<i64: 8192, 256>}, {pipeline_mode = #tpu.pipeline_mode<synchronous>, transform_indices = @transform_4, window_bounds = array<i64: 1, 8192>}, {transform_indices = @transform_5, window_bounds = array<i64: 256, 1>}, {transform_indices = @transform_6, window_bounds = array<i64: 256, 1>}]} {
    %get3A = arith.constant 0 : index
    %get3A_0 = arith.constant 0 : index
    %get3A_1 = vector.load %arg1[%get3A, %get3A_0] : memref<256x768xbf16, #tpu.memory_space<vmem>>, vector<256x768xbf16>
    %get3A_2 = arith.constant 0 : index
    %get3A_3 = arith.constant 0 : index
    %get3A_4 = vector.load %arg2[%get3A_2, %get3A_3] : memref<768x256xbf16, #tpu.memory_space<vmem>>, vector<768x256xbf16>
    %dot_general3A = arith.constant dense<0.000000e+00> : vector<256x256xf32>
    %dot_general3A_5 = tpu.matmul %get3A_1, %get3A_4, %dot_general3A {dimension_numbers = #tpu.dot_dimension_numbers<[1], [0], [0], [1], [0, 0, 1, 1], [], []>, transpose_lhs_hint = false} : vector<256x768xbf16>, vector<768x256xbf16>, vector<256x256xf32> -> vector<256x256xf32>
    %get3A_6 = arith.constant 0 : index
    %get3A_7 = vector.load %arg3[%get3A_6] : memref<256xf32, #tpu.memory_space<vmem>>, vector<256xf32>
    %broadcast_in_dim3A = vector.shape_cast %get3A_7 : vector<256xf32> to vector<1x256xf32>
    %add3A = vector.broadcast %broadcast_in_dim3A : vector<1x256xf32> to vector<256x256xf32>
    %add3A_8 = arith.addf %dot_general3A_5, %add3A : vector<256x256xf32>
    %mul3A = arith.mulf %add3A_8, %add3A_8 : vector<256x256xf32>
    %reduce_sum3A = arith.constant dense<0.000000e+00> : vector<256xf32>
    %reduce_sum3A_9 = vector.multi_reduction <add>, %mul3A, %reduce_sum3A [1] : vector<256x256xf32> to vector<256xf32>
    %broadcast_in_dim3A_10 = vector.shape_cast %reduce_sum3A_9 : vector<256xf32> to vector<256x1xf32>
    %convert_element_type3A = arith.truncf %add3A_8 : vector<256x256xf32> to vector<256x256xbf16>
    %get3A_11 = arith.constant 0 : index
    %get3A_12 = arith.constant 0 : index
    %get3A_13 = vector.load %arg4[%get3A_11, %get3A_12] : memref<8192x256xbf16, #tpu.memory_space<vmem>>, vector<2048x256xbf16>
    %dot_general3A_14 = arith.constant dense<0.000000e+00> : vector<256x2048xf32>
    %dot_general3A_15 = tpu.matmul %convert_element_type3A, %get3A_13, %dot_general3A_14 {dimension_numbers = #tpu.dot_dimension_numbers<[1], [1], [0], [0], [0, 0, 1, 0], [], []>, transpose_lhs_hint = false} : vector<256x256xbf16>, vector<2048x256xbf16>, vector<256x2048xf32> -> vector<256x2048xf32>
    %mul3A_16 = arith.constant 2.000000e+00 : f32
    %mul3A_17 = vector.broadcast %mul3A_16 : f32 to vector<256x2048xf32>
    %mul3A_18 = arith.mulf %mul3A_17, %dot_general3A_15 : vector<256x2048xf32>
    %sub3A = vector.broadcast %broadcast_in_dim3A_10 : vector<256x1xf32> to vector<256x2048xf32>
    %sub3A_19 = arith.subf %sub3A, %mul3A_18 : vector<256x2048xf32>
    %get3A_20 = arith.constant 0 : index
    %get3A_21 = arith.constant 0 : index
    %get3A_22 = vector.load %arg5[%get3A_20, %get3A_21] : memref<1x8192xf32, #tpu.memory_space<vmem>>, vector<1x2048xf32>
    %add3A_23 = vector.broadcast %get3A_22 : vector<1x2048xf32> to vector<256x2048xf32>
    %add3A_24 = arith.addf %sub3A_19, %add3A_23 : vector<256x2048xf32>
    %reduce_min3A = arith.constant dense<0x7F800000> : vector<256xf32>
    %reduce_min3A_25 = vector.multi_reduction <minimumf>, %add3A_24, %reduce_min3A [1] : vector<256x2048xf32> to vector<256xf32>
    %broadcast_in_dim3A_26 = vector.shape_cast %reduce_min3A_25 : vector<256xf32> to vector<256x1xf32>
    %argmin3A = tpu.reduce_index %add3A_24 {axis = 1 : i32, kind = #tpu.reduction_kind<arg_min>} : vector<256x2048xf32> -> vector<256xi32>
    %broadcast_in_dim3A_27 = vector.shape_cast %argmin3A : vector<256xi32> to vector<256x1xi32>
    %add3A_28 = arith.constant 0 : i32
    %add3A_29 = vector.broadcast %add3A_28 : i32 to vector<256x1xi32>
    %add3A_30 = arith.addi %broadcast_in_dim3A_27, %add3A_29 : vector<256x1xi32>
    %get3A_31 = arith.constant 2048 : index
    %get3A_32 = arith.constant 0 : index
    %get3A_33 = vector.load %arg4[%get3A_31, %get3A_32] : memref<8192x256xbf16, #tpu.memory_space<vmem>>, vector<2048x256xbf16>
    %dot_general3A_34 = arith.constant dense<0.000000e+00> : vector<256x2048xf32>
    %dot_general3A_35 = tpu.matmul %convert_element_type3A, %get3A_33, %dot_general3A_34 {dimension_numbers = #tpu.dot_dimension_numbers<[1], [1], [0], [0], [0, 0, 1, 0], [], []>, transpose_lhs_hint = false} : vector<256x256xbf16>, vector<2048x256xbf16>, vector<256x2048xf32> -> vector<256x2048xf32>
    %mul3A_36 = arith.constant 2.000000e+00 : f32
    %mul3A_37 = vector.broadcast %mul3A_36 : f32 to vector<256x2048xf32>
    %mul3A_38 = arith.mulf %mul3A_37, %dot_general3A_35 : vector<256x2048xf32>
    %sub3A_39 = vector.broadcast %broadcast_in_dim3A_10 : vector<256x1xf32> to vector<256x2048xf32>
    %sub3A_40 = arith.subf %sub3A_39, %mul3A_38 : vector<256x2048xf32>
    %get3A_41 = arith.constant 0 : index
    %get3A_42 = arith.constant 2048 : index
    %get3A_43 = vector.load %arg5[%get3A_41, %get3A_42] : memref<1x8192xf32, #tpu.memory_space<vmem>>, vector<1x2048xf32>
    %add3A_44 = vector.broadcast %get3A_43 : vector<1x2048xf32> to vector<256x2048xf32>
    %add3A_45 = arith.addf %sub3A_40, %add3A_44 : vector<256x2048xf32>
    %reduce_min3A_46 = arith.constant dense<0x7F800000> : vector<256xf32>
    %reduce_min3A_47 = vector.multi_reduction <minimumf>, %add3A_45, %reduce_min3A_46 [1] : vector<256x2048xf32> to vector<256xf32>
    %broadcast_in_dim3A_48 = vector.shape_cast %reduce_min3A_47 : vector<256xf32> to vector<256x1xf32>
    %argmin3A_49 = tpu.reduce_index %add3A_45 {axis = 1 : i32, kind = #tpu.reduction_kind<arg_min>} : vector<256x2048xf32> -> vector<256xi32>
    %broadcast_in_dim3A_50 = vector.shape_cast %argmin3A_49 : vector<256xi32> to vector<256x1xi32>
    %add3A_51 = arith.constant 2048 : i32
    %add3A_52 = vector.broadcast %add3A_51 : i32 to vector<256x1xi32>
    %add3A_53 = arith.addi %broadcast_in_dim3A_50, %add3A_52 : vector<256x1xi32>
    %lt3A = arith.cmpf olt, %broadcast_in_dim3A_48, %broadcast_in_dim3A_26 : vector<256x1xf32>
    %select_n3A = arith.select %lt3A, %broadcast_in_dim3A_48, %broadcast_in_dim3A_26 : vector<256x1xi1>, vector<256x1xf32>
    %select_n3A_54 = arith.select %lt3A, %add3A_53, %add3A_30 : vector<256x1xi1>, vector<256x1xi32>
    %get3A_55 = arith.constant 4096 : index
    %get3A_56 = arith.constant 0 : index
    %get3A_57 = vector.load %arg4[%get3A_55, %get3A_56] : memref<8192x256xbf16, #tpu.memory_space<vmem>>, vector<2048x256xbf16>
    %dot_general3A_58 = arith.constant dense<0.000000e+00> : vector<256x2048xf32>
    %dot_general3A_59 = tpu.matmul %convert_element_type3A, %get3A_57, %dot_general3A_58 {dimension_numbers = #tpu.dot_dimension_numbers<[1], [1], [0], [0], [0, 0, 1, 0], [], []>, transpose_lhs_hint = false} : vector<256x256xbf16>, vector<2048x256xbf16>, vector<256x2048xf32> -> vector<256x2048xf32>
    %mul3A_60 = arith.constant 2.000000e+00 : f32
    %mul3A_61 = vector.broadcast %mul3A_60 : f32 to vector<256x2048xf32>
    %mul3A_62 = arith.mulf %mul3A_61, %dot_general3A_59 : vector<256x2048xf32>
    %sub3A_63 = vector.broadcast %broadcast_in_dim3A_10 : vector<256x1xf32> to vector<256x2048xf32>
    %sub3A_64 = arith.subf %sub3A_63, %mul3A_62 : vector<256x2048xf32>
    %get3A_65 = arith.constant 0 : index
    %get3A_66 = arith.constant 4096 : index
    %get3A_67 = vector.load %arg5[%get3A_65, %get3A_66] : memref<1x8192xf32, #tpu.memory_space<vmem>>, vector<1x2048xf32>
    %add3A_68 = vector.broadcast %get3A_67 : vector<1x2048xf32> to vector<256x2048xf32>
    %add3A_69 = arith.addf %sub3A_64, %add3A_68 : vector<256x2048xf32>
    %reduce_min3A_70 = arith.constant dense<0x7F800000> : vector<256xf32>
    %reduce_min3A_71 = vector.multi_reduction <minimumf>, %add3A_69, %reduce_min3A_70 [1] : vector<256x2048xf32> to vector<256xf32>
    %broadcast_in_dim3A_72 = vector.shape_cast %reduce_min3A_71 : vector<256xf32> to vector<256x1xf32>
    %argmin3A_73 = tpu.reduce_index %add3A_69 {axis = 1 : i32, kind = #tpu.reduction_kind<arg_min>} : vector<256x2048xf32> -> vector<256xi32>
    %broadcast_in_dim3A_74 = vector.shape_cast %argmin3A_73 : vector<256xi32> to vector<256x1xi32>
    %add3A_75 = arith.constant 4096 : i32
    %add3A_76 = vector.broadcast %add3A_75 : i32 to vector<256x1xi32>
    %add3A_77 = arith.addi %broadcast_in_dim3A_74, %add3A_76 : vector<256x1xi32>
    %lt3A_78 = arith.cmpf olt, %broadcast_in_dim3A_72, %select_n3A : vector<256x1xf32>
    %select_n3A_79 = arith.select %lt3A_78, %broadcast_in_dim3A_72, %select_n3A : vector<256x1xi1>, vector<256x1xf32>
    %select_n3A_80 = arith.select %lt3A_78, %add3A_77, %select_n3A_54 : vector<256x1xi1>, vector<256x1xi32>
    %get3A_81 = arith.constant 6144 : index
    %get3A_82 = arith.constant 0 : index
    %get3A_83 = vector.load %arg4[%get3A_81, %get3A_82] : memref<8192x256xbf16, #tpu.memory_space<vmem>>, vector<2048x256xbf16>
    %dot_general3A_84 = arith.constant dense<0.000000e+00> : vector<256x2048xf32>
    %dot_general3A_85 = tpu.matmul %convert_element_type3A, %get3A_83, %dot_general3A_84 {dimension_numbers = #tpu.dot_dimension_numbers<[1], [1], [0], [0], [0, 0, 1, 0], [], []>, transpose_lhs_hint = false} : vector<256x256xbf16>, vector<2048x256xbf16>, vector<256x2048xf32> -> vector<256x2048xf32>
    %mul3A_86 = arith.constant 2.000000e+00 : f32
    %mul3A_87 = vector.broadcast %mul3A_86 : f32 to vector<256x2048xf32>
    %mul3A_88 = arith.mulf %mul3A_87, %dot_general3A_85 : vector<256x2048xf32>
    %sub3A_89 = vector.broadcast %broadcast_in_dim3A_10 : vector<256x1xf32> to vector<256x2048xf32>
    %sub3A_90 = arith.subf %sub3A_89, %mul3A_88 : vector<256x2048xf32>
    %get3A_91 = arith.constant 0 : index
    %get3A_92 = arith.constant 6144 : index
    %get3A_93 = vector.load %arg5[%get3A_91, %get3A_92] : memref<1x8192xf32, #tpu.memory_space<vmem>>, vector<1x2048xf32>
    %add3A_94 = vector.broadcast %get3A_93 : vector<1x2048xf32> to vector<256x2048xf32>
    %add3A_95 = arith.addf %sub3A_90, %add3A_94 : vector<256x2048xf32>
    %reduce_min3A_96 = arith.constant dense<0x7F800000> : vector<256xf32>
    %reduce_min3A_97 = vector.multi_reduction <minimumf>, %add3A_95, %reduce_min3A_96 [1] : vector<256x2048xf32> to vector<256xf32>
    %broadcast_in_dim3A_98 = vector.shape_cast %reduce_min3A_97 : vector<256xf32> to vector<256x1xf32>
    %argmin3A_99 = tpu.reduce_index %add3A_95 {axis = 1 : i32, kind = #tpu.reduction_kind<arg_min>} : vector<256x2048xf32> -> vector<256xi32>
    %broadcast_in_dim3A_100 = vector.shape_cast %argmin3A_99 : vector<256xi32> to vector<256x1xi32>
    %add3A_101 = arith.constant 6144 : i32
    %add3A_102 = vector.broadcast %add3A_101 : i32 to vector<256x1xi32>
    %add3A_103 = arith.addi %broadcast_in_dim3A_100, %add3A_102 : vector<256x1xi32>
    %lt3A_104 = arith.cmpf olt, %broadcast_in_dim3A_98, %select_n3A_79 : vector<256x1xf32>
    %select_n3A_105 = arith.select %lt3A_104, %broadcast_in_dim3A_98, %select_n3A_79 : vector<256x1xi1>, vector<256x1xf32>
    %select_n3A_106 = arith.select %lt3A_104, %add3A_103, %select_n3A_80 : vector<256x1xi1>, vector<256x1xi32>
    %swap3A = arith.constant 0 : index
    %swap3A_107 = arith.constant 0 : index
    %swap3A_108 = vector.load %arg6[%swap3A, %swap3A_107] : memref<256x1xi32, #tpu.memory_space<vmem>>, vector<256x1xi32>
    tpu.vector_store %arg6[%swap3A, %swap3A_107], %select_n3A_106 {strides = array<i32>} : memref<256x1xi32, #tpu.memory_space<vmem>>, vector<256x1xi32>,
    %swap3A_109 = arith.constant 0 : index
    %swap3A_110 = arith.constant 0 : index
    %swap3A_111 = vector.load %arg7[%swap3A_109, %swap3A_110] : memref<256x1xf32, #tpu.memory_space<vmem>>, vector<256x1xf32>
    tpu.vector_store %arg7[%swap3A_109, %swap3A_110], %select_n3A_105 {strides = array<i32>} : memref<256x1xf32, #tpu.memory_space<vmem>>, vector<256x1xf32>,
    return
  }
  func.func @transform_0(%arg0: i32) -> (i32, i32) {
    %c0_i32 = arith.constant 0 : i32
    %c0_i32_0 = arith.constant 0 : i32
    return %arg0, %c0_i32 : i32, i32
  }
  func.func @transform_1(%arg0: i32) -> (i32, i32) {
    %c0_i32 = arith.constant 0 : i32
    %c0_i32_0 = arith.constant 0 : i32
    %c0_i32_1 = arith.constant 0 : i32
    return %c0_i32, %c0_i32_0 : i32, i32
  }
  func.func @transform_2(%arg0: i32) -> i32 {
    %c0_i32 = arith.constant 0 : i32
    %c0_i32_0 = arith.constant 0 : i32
    return %c0_i32 : i32
  }
  func.func @transform_3(%arg0: i32) -> (i32, i32) {
    %c0_i32 = arith.constant 0 : i32
    %c0_i32_0 = arith.constant 0 : i32
    %c0_i32_1 = arith.constant 0 : i32
    return %c0_i32, %c0_i32_0 : i32, i32
  }
  func.func @transform_4(%arg0: i32) -> (i32, i32) {
    %c0_i32 = arith.constant 0 : i32
    %c0_i32_0 = arith.constant 0 : i32
    %c0_i32_1 = arith.constant 0 : i32
    return %c0_i32, %c0_i32_0 : i32, i32
  }
  func.func @transform_5(%arg0: i32) -> (i32, i32) {
    %c0_i32 = arith.constant 0 : i32
    %c0_i32_0 = arith.constant 0 : i32
    return %arg0, %c0_i32 : i32, i32
  }
  func.func @transform_6(%arg0: i32) -> (i32, i32) {
    %c0_i32 = arith.constant 0 : i32
    %c0_i32_0 = arith.constant 0 : i32
    return %arg0, %c0_i32 : i32, i32
  }
}

module attributes {stable_mosaic.version = 14 : i64} {
  func.func @_w2_kernel(%arg0: i32, %arg1: memref<256x256xf32, #tpu.memory_space<vmem>>, %arg2: memref<256x768xbf16, #tpu.memory_space<vmem>>, %arg3: memref<768xf32, #tpu.memory_space<vmem>>, %arg4: memref<256x768xf32, #tpu.memory_space<vmem>>) attributes {dimension_semantics = [#tpu.dimension_semantics<arbitrary>], iteration_bounds = array<i64: 64>, scalar_prefetch = 0 : i64, scratch_operands = 0 : i64, tpu.core_type = #tpu.core_type<tc>, window_params = [{transform_indices = @transform_0, window_bounds = array<i64: 256, 256>}, {pipeline_mode = #tpu.pipeline_mode<synchronous>, transform_indices = @transform_1, window_bounds = array<i64: 256, 768>}, {pipeline_mode = #tpu.pipeline_mode<synchronous>, transform_indices = @transform_2, window_bounds = array<i64: 768>}, {transform_indices = @transform_3, window_bounds = array<i64: 256, 768>}]} {
    %get3A = arith.constant 0 : index
    %get3A_0 = arith.constant 0 : index
    %get3A_1 = vector.load %arg1[%get3A, %get3A_0] : memref<256x256xf32, #tpu.memory_space<vmem>>, vector<256x256xf32>
    %convert_element_type3A = arith.truncf %get3A_1 : vector<256x256xf32> to vector<256x256xbf16>
    %get3A_2 = arith.constant 0 : index
    %get3A_3 = arith.constant 0 : index
    %get3A_4 = vector.load %arg2[%get3A_2, %get3A_3] : memref<256x768xbf16, #tpu.memory_space<vmem>>, vector<256x768xbf16>
    %dot_general3A = arith.constant dense<0.000000e+00> : vector<256x768xf32>
    %dot_general3A_5 = tpu.matmul %convert_element_type3A, %get3A_4, %dot_general3A {dimension_numbers = #tpu.dot_dimension_numbers<[1], [0], [0], [1], [0, 0, 1, 1], [], []>, transpose_lhs_hint = false} : vector<256x256xbf16>, vector<256x768xbf16>, vector<256x768xf32> -> vector<256x768xf32>
    %get3A_6 = arith.constant 0 : index
    %get3A_7 = vector.load %arg3[%get3A_6] : memref<768xf32, #tpu.memory_space<vmem>>, vector<768xf32>
    %broadcast_in_dim3A = vector.shape_cast %get3A_7 : vector<768xf32> to vector<1x768xf32>
    %add3A = vector.broadcast %broadcast_in_dim3A : vector<1x768xf32> to vector<256x768xf32>
    %add3A_8 = arith.addf %dot_general3A_5, %add3A : vector<256x768xf32>
    %swap3A = arith.constant 0 : index
    %swap3A_9 = arith.constant 0 : index
    %swap3A_10 = vector.load %arg4[%swap3A, %swap3A_9] : memref<256x768xf32, #tpu.memory_space<vmem>>, vector<256x768xf32>
    tpu.vector_store %arg4[%swap3A, %swap3A_9], %add3A_8 {strides = array<i32>} : memref<256x768xf32, #tpu.memory_space<vmem>>, vector<256x768xf32>,
    return
  }
  func.func @transform_0(%arg0: i32) -> (i32, i32) {
    %c0_i32 = arith.constant 0 : i32
    %c0_i32_0 = arith.constant 0 : i32
    return %arg0, %c0_i32 : i32, i32
  }
  func.func @transform_1(%arg0: i32) -> (i32, i32) {
    %c0_i32 = arith.constant 0 : i32
    %c0_i32_0 = arith.constant 0 : i32
    %c0_i32_1 = arith.constant 0 : i32
    return %c0_i32, %c0_i32_0 : i32, i32
  }
  func.func @transform_2(%arg0: i32) -> i32 {
    %c0_i32 = arith.constant 0 : i32
    %c0_i32_0 = arith.constant 0 : i32
    return %c0_i32 : i32
  }
  func.func @transform_3(%arg0: i32) -> (i32, i32) {
    %c0_i32 = arith.constant 0 : i32
    %c0_i32_0 = arith.constant 0 : i32
    return %arg0, %c0_i32 : i32, i32
  }
}

</mosaic_0001>

<sc_bundles>
// kernel: kernel.6.cloned.1.call-start
scs
__scs_entry_jumppad:
0x0: {  	(pc) =	sbr.rel $0x88, $3  }
0x1: {  	(tag) =	ssettag $0x0;
	lr =	simm.s32 $0x1  }
0x2: {  	[smem:$0x3F99] =	sst lr;
	_ =	strace $0xD0000000  }
0x3: {  	_ = 	snop  }
0x4: {  	_ = 	snop  }
0x5: {  	_ = 	snop  }
0x6: {  	_ = 	snop  }
0x7: {  	_ = 	snop  }
__scs_overlays_trampoline_lowered:
0x8: {  	[smem:$0x3FA8] =	sst s0  }
0x9: {  	[smem:$0x3FA9] =	sst s1  }
0xa: {  	[smem:$0x3FAA] =	sst s2  }
0xb: {  	[smem:$0x3FAB] =	sst s3  }
0xc: {  	[smem:$0x3FAC] =	sst s4  }
0xd: {  	[smem:$0x3FAD] =	sst s5  }
0xe: {  	[smem:$0x3FAE] =	sst s6  }
0xf: {  	[smem:$0x3FAF] =	sst s7  }
0x10: {  	[smem:$0x3FB0] =	sst s8  }
0x11: {  	[smem:$0x3FB1] =	sst s9;
	s0 =	simm.s32 @!p0 $0x0  }
0x12: {  	s1 =	sld [smem:$0x3F97];
	s0 =	simm.s32 @p0 $0x1  }
0x13: {  	[smem:$0x3FB2] =	sst s0;
	s0 =	simm.s32 @!p1 $0x0  }
0x14: {  	s2 =	sld [smem:$0x3F96];
	s0 =	simm.s32 @p1 $0x1  }
0x15: {  	[smem:$0x3FB3] =	sst s0;
	s0 =	simm.s32 @!p2 $0x0  }
0x16: {  	s3 =	sld [smem:$0x3FDB];
	s0 =	simm.s32 @p2 $0x1  }
0x17: {  	s4 =	simm.s32 $0x1BF5;
	[smem:$0x3FB5] =	sst s0  }
0x18: {  	s0 =	sld [smem:$0x3F98];
	_ =	swait.ge [sflag:s4], $0x0  }
0x19: {  	s7 =	sld [smem:$0x3F99]  }
0x1a: {  	s8 =	sadd.s32 $0xFFFFE003, lr  }
0x1b: {  	s9 =	sadd.s32 $0xFFFFFEF7, lr;
	s5 =	simm.s32 $0xFFFFFFFF;
	p2 =	slt.u32 s8, $0xFFFFF086  }
0x1c: {  	p1 =	slt.u32 s9, $0xF7A;
	s5 =	simm.s32 @!p2 $0x0  }
0x1d: {  	s5 =	simm.s32 @p1 $0x1;
	p0 =	seq.s32 s7, s2  }
0x1e: {  	s7 =	smul.u32 @!p0 $0xF7A, s2;
	p2 =	seq.s32 @!p0 s5, $0x0  }
0x1f: {  	s9 =	smul.u32 $0xF7A, s1;
	s8 =	simm.s32 @!p0 $0x1BF5;
	p2 =	por !p2, p0  }
0x20: {  	[sflag:s8] =	ssyncset.s32 @!p0 $0xFFFFF086;
	s6 =	sadd.s32 @!p0 s3, s7;
	s7 =	simm.s32 @!p0 $0x108  }
0x21: {  	s3 =	sadd.s32 s3, s9;
	s6 =	sadd.s32 @!p0 $0x88, s6;
	s7 =	simm.s32 @p2 $0x1082  }
0x22: {  	[simem:s7], [sflag:s8] =	dma.local @!p0 [hbm:s6], $0xF7A  }
0x23: {  	s9 =	sor.u32 $0xD0000000, s2;
	s6 =	simm.s32 $0x108;
	_ =	swait.ge @!p0 [sflag:s8], $0x0  }
0x24: {  	s3 =	sadd.s32 $0x88, s3;
	s6 =	simm.s32 @!p1 $0x1082;
	[sflag:s4] =	ssyncset.s32 $0xFFFFF086  }
0x25: {  	[simem:s6], [sflag:s4] =	dma.local [hbm:s3], $0xF7A  }
0x26: {  	[smem:$0x3F99] =	sst s1;
	(tag) =	ssettag s2;
	_ =	strace s9  }
0x27: {  	s1 =	sld [smem:$0x3FA9]  }
0x28: {  	s2 =	sld [smem:$0x3FAA]  }
0x29: {  	s4 =	sld [smem:$0x3FAC]  }
0x2a: {  	p0 =	seq.s32 s5, $0x0;
	s5 =	sld [smem:$0x3FAD]  }
0x2b: {  	s6 =	sld [smem:$0x3FAE]  }
0x2c: {  	s7 =	sld [smem:$0x3FAF]  }
0x2d: {  	s3 =	simm.s32 $0x108;
	s8 =	sld [smem:$0x3FB0]  }
0x2e: {  	s3 =	simm.s32 @!p0 $0x1082;
	s9 =	sld [smem:$0x3FB1]  }
0x2f: {  	lr =	sadd.s32 s0, s3;
	s0 =	sld [smem:$0x3FA8]  }
0x30: {  	s3 =	sld [smem:$0x3FAB]  }
0x31: {  	[smem:$0x3FB4] =	sst s10  }
0x32: {  	s10 =	sld [smem:$0x3FB2];
	_ =	sdelay $0x3  }
0x33: {  	p0 =	seq.s32 s10, $0x1;
	s10 =	sld [smem:$0x3FB4];
	_ =	sdelay $0x3  }
0x34: {  	[smem:$0x3FB4] =	sst s10  }
0x35: {  	s10 =	sld [smem:$0x3FB3];
	_ =	sdelay $0x3  }
0x36: {  	p1 =	seq.s32 s10, $0x1;
	s10 =	sld [smem:$0x3FB4];
	_ =	sdelay $0x3  }
0x37: {  	[smem:$0x3FB4] =	sst s10  }
0x38: {  	s10 =	sld [smem:$0x3FB5]  }
0x39: {  	_ = 	snop;
	(pc) =	sbr.ind lr, $3  }
0x3a: {  	_ = 	snop  }
0x3b: {  	_ = 	snop  }
0x3c: {  	p2 =	seq.s32 s10, $0x1;
	s10 =	sld [smem:$0x3FB4]  }
0x3d: {  	_ =	shalt  }
0x3e: {  	_ =	shalt  }
0x3f: {  	_ =	shalt  }
0x40: {  	_ =	shalt  }
0x41: {  	_ =	shalt  }
0x42: {  	_ =	shalt  }
0x43: {  	_ =	shalt  }
0x44: {  	_ =	shalt  }
0x45: {  	_ =	shalt  }
0x46: {  	_ =	shalt  }
0x47: {  	_ =	shalt  }
0x48: {  	_ =	shalt  }
0x49: {  	_ =	shalt  }
0x4a: {  	_ =	shalt  }
0x4b: {  	_ =	shalt  }
0x4c: {  	_ =	shalt  }
0x4d: {  	_ =	shalt  }
0x4e: {  	_ =	shalt  }
0x4f: {  	_ =	shalt  }
0x50: {  	_ =	shalt  }
0x51: {  	_ =	shalt  }
0x52: {  	_ =	shalt  }
0x53: {  	_ =	shalt  }
0x54: {  	_ =	shalt  }
0x55: {  	_ =	shalt  }
0x56: {  	_ =	shalt  }
0x57: {  	_ =	shalt  }
0x58: {  	_ =	shalt  }
0x59: {  	_ =	shalt  }
0x5a: {  	_ =	shalt  }
0x5b: {  	_ =	shalt  }
0x5c: {  	_ =	shalt  }
0x5d: {  	_ =	shalt  }
0x5e: {  	_ =	shalt  }
0x5f: {  	_ =	shalt  }
0x60: {  	_ =	shalt  }
0x61: {  	_ =	shalt  }
0x62: {  	_ =	shalt  }
0x63: {  	_ =	shalt  }
0x64: {  	_ =	shalt  }
0x65: {  	_ =	shalt  }
0x66: {  	_ =	shalt  }
0x67: {  	_ =	shalt  }
0x68: {  	_ =	shalt  }
0x69: {  	_ =	shalt  }
0x6a: {  	_ =	shalt  }
0x6b: {  	_ =	shalt  }
0x6c: {  	_ =	shalt  }
0x6d: {  	_ =	shalt  }
0x6e: {  	_ =	shalt  }
0x6f: {  	_ =	shalt  }
0x70: {  	_ =	shalt  }
0x71: {  	_ =	shalt  }
0x72: {  	_ =	shalt  }
0x73: {  	_ =	shalt  }
0x74: {  	_ =	shalt  }
0x75: {  	_ =	shalt  }
0x76: {  	_ =	shalt  }
0x77: {  	_ =	shalt  }
0x78: {  	_ =	shalt  }
0x79: {  	_ =	shalt  }
0x7a: {  	_ =	shalt  }
0x7b: {  	_ =	shalt  }
0x7c: {  	_ =	shalt  }
0x7d: {  	_ =	shalt  }
0x7e: {  	_ =	shalt  }
0x7f: {  	_ =	shalt  }
0x80: {  	_ =	shalt  }
0x81: {  	_ =	shalt  }
0x82: {  	_ =	shalt  }
0x83: {  	_ =	shalt  }
0x84: {  	_ =	shalt  }
0x85: {  	_ =	shalt  }
0x86: {  	_ =	shalt  }
0x87: {  	_ =	shalt  }
.Lfunc_end0:
.L_simem_size_0:
called_computation_lowered:
.L_overlay_start_0:
0x88: {  	s2 =	sld [smem:$0x3FD9]  }
0x89: {  	s3 =	sld [smem:$0x3FFE];
	_ =	sdelay $0x1  }
0x8a: {  	s1 =	srdreg.scid  }
0x8b: {  	s0 =	sand.u32 $0x1, s1  }
0x8c: {  	s14 =	sshll.u32 s0, $0xA;
	s2 =	sadd.s32 s3, s2  }
0x8d: {  	s2 =	sadd.s32 s2, s14  }
0x8e: {  	[smem:$0x3FC0] =	sst s2  }
0x8f: {  	_ = 	snop  }
0x90: {  	s2 =	sld [smem:$0x3FD0];
	_ =	sdelay $0x2  }
0x91: {  	s4 =	simm.s32 $0xA;
	s5 =	simm.s32 $0x10;
	s15 =	sld [smem:$0x3FC4]  }
0x92: {  	[smem:s5], [sflag:s4] =	dma.local [hbm:s2], $0x1  }
0x93: {  	_ =	swait.eq [sflag:s4], $0x1  }
0x94: {  	[sflag:s4] =	ssyncset.done $0x0  }
0x95: {  	[sflag:s4] =	ssyncadd.s32 $0xFFFFFFFF  }
0x96: {  	s16 =	sld [smem:$0x10];
	(tm) =	ssettm $0x1  }
0x97: {  	s17 =	sld [smem:$0x3FFB];
	_ =	sdelay $0x3  }
0x98: {  	_ =	strace s17  }
0x99: {  	s4 =	sld [smem:$0x3FFC];
	_ =	sdelay $0x3  }
0x9a: {  	_ =	strace s4  }
0x9b: {  	s4 =	sld [smem:$0x3FFD];
	_ =	sdelay $0x3  }
0x9c: {  	_ =	strace s4  }
0x9d: {  	_ =	strace $0x8FFFFFFF  }
0x9e: {  	s18 =	sld [smem:$0x3FDB];
	_ =	sdelay $0x1  }
0x9f: {  	s19 =	simm.s32 $_scs_section_size  }
0xa0: {  	s6 =	simm.s32 $_size__tile_overlayer_lowered;
	s7 =	simm.s32 $_tile_overlayer_lowered  }
0xa1: {  	s22 =	simm.s32 $0x1BFF;
	s21 =	sshll.u32 s7, $0x1;
	s4 =	sadd.s32 s19, s18  }
0xa2: {  	s8 =	simm.s32 $0x0;
	s20 =	sshll.u32 s6, $0x1;
	s6 =	sadd.s32 s21, s4  }
0xa3: {  	[timem:s8], [sflag:s22] =	dma.local [hbm:s6], s20  }
0xa4: {  	_ =	swait.ge [sflag:s22], s20  }
0xa5: {  	s5 =	ssub.s32 $0x0, s20;
	[sflag:s22] =	ssyncset.done $0x0  }
0xa6: {  	[sflag:s22] =	ssyncadd.s32 s5;
	_ =	sdelay $0x1  }
0xa7: {  	s23 =	simm.s32 $0x1B8B  }
0xa8: {  	_ =	swait.ge [sflag:s23], $0x1  }
0xa9: {  	[sflag:s23] =	ssyncset.done $0x0  }
0xaa: {  	s25 =	simm.s32 $0x1B8E;
	s24 =	sld [smem:$0x3FFE];
	[sflag:s23] =	ssyncadd.s32 $0xFFFFFFFF  }
0xab: {  	s26 =	simm.s32 $execute0_lowered;
	[smem:$0x3FD2] =	sst s25  }
0xac: {  	s6 =	sshll.u32 s26, $0x1;
	_ =	strace $0x80000046;
	[dreg:$0x1] =	wrdreg $0xFFFFFFFF  }
0xad: {  	s28 =	simm.s32 $_size_execute0_lowered;
	s4 =	sadd.s32 s4, s6;
	[dreg:$0x0] =	wrdreg $0x0  }
0xae: {  	s6 =	sshll.u32 s28, $0x1;
	[dreg:$0x2] =	wrdreg s4  }
0xaf: {  	[dreg:$0x3] =	wrdreg s6  }
0xb0: {  	[dreg:$0x4] =	wrdreg $0xC0  }
0xb1: {  	_ =	task [dreg:s8], $0x5FFFF  }
0xb2: {  	[dreg:$0x1] =	wrdreg $0xFFFFFFFF  }
0xb3: {  	[dreg:$0x0] =	wrdreg $0x60  }
0xb4: {  	[dreg:$0x2] =	wrdreg s15  }
0xb5: {  	[dreg:$0x3] =	wrdreg s24  }
0xb6: {  	[dreg:$0x4] =	wrdreg s16  }
0xb7: {  	[dreg:$0x5] =	wrdreg $0x9  }
0xb8: {  	_ =	task.clear_ibuf [dreg:s8], $0x6FFFF;
	_ =	strace $0x90000046  }
0xb9: {  	s29 =	simm.s32 $0x9;
	_ =	strace $0x80000048  }
0xba: {  	_ =	swait.ge [sflag:s29], $0x1  }
0xbb: {  	[sflag:s29] =	ssyncadd.s32 $0xFFFFFFFF  }
0xbc: {  	_ =	strace $0x90000048  }
0xbd: {  	_ =	sfence  }
0xbe: {  	s30 =	sld [smem:$0x0];
	_ =	sdelay $0x2  }
0xbf: {  	s31 =	sshll.u32 s1, $0xD;
	s1 =	sshrl.u32 s1, $0x2  }
0xc0: {  	s3 =	sand.u32 $0x4000, s31;
	s1 =	sadd.s32 s1, s30  }
0xc1: {  	s0 =	sor.u32 s3, s0;
	s1 =	sshll.u32 s1, $0x11  }
0xc2: {  	s0 =	sor.u32 s1, s0  }
0xc3: {  	s0 =	sadd.s32 $0x8F2B, s0  }
0xc4: {  	[sflag:s0] =	ssyncadd.remote.s32 $0x1  }
0xc5: {  	_ =	sfence.sel $0xFFFF  }
0xc6: {  	[dreg:$0x0] =	wrdreg $0xFFFFFFFF;
	(pc) =	sbr.abs _section_cstart, $3  }
0xc7: {  	[dreg:$0x1] =	wrdreg $0xFFFFFFFF  }
0xc8: {  	_ =	task.clear_ibuf [dreg:s8], $0x2FFFF;
	_ =	strace $0x9FFFFFFF  }
0xc9: {  	(tm) =	ssettm $0x7FFFFFFF  }
tec
execute0_lowered:
.L_overlay_start_1:
0x0: {  	(tag) =	ssettag $0x1  }
0x1: {  	s1 =	rddreg [dreg:$0x0]  }
0x2: {  	s4 =	rddreg [dreg:$0x1]  }
0x3: {  	s5 =	rddreg [dreg:$0x2]  }
0x4: {  	s0 =	rddreg [dreg:$0x3];
	s6 =	srdreg.scid  }
0x5: {  	s3 =	simm.s32 $0x0;
	s2 =	stileid.u32;
	s10 =	simm.s32 $0x1200  }
0x6: {  	s11 =	simm.s32 $0x1A00;
	s12 =	simm.s32 $0x2200;
	s13 =	simm.s32 $0x2A00  }
0x7: {  	s14 =	simm.s32 $0x3200;
	s15 =	simm.s32 $0x3A00;
	s16 =	simm.s32 $0x1  }
0x8: {  	s17 =	simm.s32 $0x2;
	s6 =	sand.u32 $0x1, s6;
	[smem:$0x7FF] =	sst s3  }
0x9: {  	s7 =	sshll.u32 s2, $0xA;
	s8 =	sshll.u32 s6, $0x9;
	s6 =	ssub.s32 $0x2, s6  }
0xa: {  	_ =	strace $0x80000047;
	s7 =	sor.u32 s8, s7;
	s31 =	sshrl.u32 s6, $0x1  }
0xb: {  	v2 =	vlaneseq.u32;
	s8 =	simm.s32 $0x200;
	s9 =	sshrl.u32 s7, $0x3;
	s7 =	sshll.u32 s7, $0x5  }
0xc: {  	vm0 =	vmmov $0xffff;
	v1 =	vshrl.u32 v2, $0x3;
	s6 =	ssub.s32 s6, s31;
	s4 =	sadd.s32 s4, s9;
	s5 =	sadd.s32 s5, s7  }
0xd: {  	v0 =	vand.u32 $0x7, v2;
	v2 =	vor.u32 $0x8, v2;
	v1 =	vmul.u32 $0x8, v1;
	s6 =	smax.u32 s6, $0x1;
	s7 =	simm.s32 $0x3;
	s9 =	simm.s32 $0xA00  }
.LBB2_1:
0xe: {  	[tilespmem:s3], [sflag:$0x3] =	stream.linear.gather [hbm4b:s4+s3], $0x200, $0x38;
	[tilespmem:$0x4200] =	vst v63  }
0xf: {  	_ =	swait.ge [sflag:s7], $0x200  }
0x10: {  	[sflag:s7] =	ssyncset.done $0x0  }
0x11: {  	[sflag:s7] =	ssyncadd.s32 $0xFFFFFE00  }
0x12: {  	v3 =	vld [tilespmem:$0x0];
	_ =	sdelay $0x4  }
0x13: {  	v4 =	vshll.u32 v3, $0x1  }
0x14: {  	v3 =	vand.u32 $0x7, v3;
	v4 =	vand.u32 $0xFFFFFFF0, v4  }
0x15: {  	v3 =	vor.u32 v3, v4  }
0x16: {  	v4 =	vperm.xlane v3, v0;
	_ =	sdelay $0x1  }
0x17: {  	v3 =	vperm.xlane v3, v2;
	v4 =	vadd.s32 v1, v4;
	_ =	sdelay $0x1  }
0x18: {  	v3 =	vadd.s32 v1, v3;
	_ =	sdelay $0x2  }
0x19: {  	[tilespmem:s8], [sflag:$0x1] =	stream.indirect_vreg.gather [hbm4b:s1+s3], $0x80, v4, vm0, $0xb8;
	[tilespmem:$0x4200] =	vst v63  }
0x1a: {  	_ = 	snop  }
0x1b: {  	[tilespmem:s9], [sflag:$0x1] =	stream.indirect_vreg.gather [hbm4b:s1+s3], $0x80, v3, vm0, $0xb8;
	[tilespmem:$0x4200] =	vst v63  }
0x1c: {  	v3 =	vld [tilespmem:$0x10];
	_ =	sdelay $0x4  }
0x1d: {  	v61 =	vshll.u32 v3, $0x1  }
0x1e: {  	v3 =	vand.u32 $0x7, v3;
	v4 =	vand.u32 $0xFFFFFFF0, v61  }
0x1f: {  	v3 =	vor.u32 v3, v4  }
0x20: {  	v4 =	vperm.xlane v3, v0;
	_ =	sdelay $0x1  }
0x21: {  	v3 =	vperm.xlane v3, v2;
	v4 =	vadd.s32 v1, v4;
	_ =	sdelay $0x1  }
0x22: {  	v3 =	vadd.s32 v1, v3;
	_ =	sdelay $0x2  }
0x23: {  	[tilespmem:s10], [sflag:$0x1] =	stream.indirect_vreg.gather [hbm4b:s1+s3], $0x80, v4, vm0, $0xb8;
	[tilespmem:$0x4200] =	vst v63  }
0x24: {  	_ = 	snop  }
0x25: {  	[tilespmem:s11], [sflag:$0x1] =	stream.indirect_vreg.gather [hbm4b:s1+s3], $0x80, v3, vm0, $0xb8;
	[tilespmem:$0x4200] =	vst v63  }
0x26: {  	v3 =	vld [tilespmem:$0x20];
	_ =	sdelay $0x4  }
0x27: {  	v62 =	vshll.u32 v3, $0x1  }
0x28: {  	v3 =	vand.u32 $0x7, v3;
	v4 =	vand.u32 $0xFFFFFFF0, v62  }
0x29: {  	v3 =	vor.u32 v3, v4  }
0x2a: {  	v4 =	vperm.xlane v3, v0;
	_ =	sdelay $0x1  }
0x2b: {  	v3 =	vperm.xlane v3, v2;
	v4 =	vadd.s32 v1, v4;
	_ =	sdelay $0x1  }
0x2c: {  	v3 =	vadd.s32 v1, v3;
	_ =	sdelay $0x2  }
0x2d: {  	[tilespmem:s12], [sflag:$0x1] =	stream.indirect_vreg.gather [hbm4b:s1+s3], $0x80, v4, vm0, $0xb8;
	[tilespmem:$0x4200] =	vst v63  }
0x2e: {  	_ = 	snop  }
0x2f: {  	[tilespmem:s13], [sflag:$0x1] =	stream.indirect_vreg.gather [hbm4b:s1+s3], $0x80, v3, vm0, $0xb8;
	[tilespmem:$0x4200] =	vst v63  }
0x30: {  	v3 =	vld [tilespmem:$0x30];
	_ =	sdelay $0x4  }
0x31: {  	v63 =	vshll.u32 v3, $0x1  }
0x32: {  	v3 =	vand.u32 $0x7, v3;
	v4 =	vand.u32 $0xFFFFFFF0, v63  }
0x33: {  	v3 =	vor.u32 v3, v4  }
0x34: {  	v4 =	vperm.xlane v3, v0;
	_ =	sdelay $0x1  }
0x35: {  	v3 =	vperm.xlane v3, v2;
	v4 =	vadd.s32 v1, v4;
	_ =	sdelay $0x1  }
0x36: {  	v3 =	vadd.s32 v1, v3;
	_ =	sdelay $0x2  }
0x37: {  	[tilespmem:s14], [sflag:$0x1] =	stream.indirect_vreg.gather [hbm4b:s1+s3], $0x80, v4, vm0, $0xb8;
	[tilespmem:$0x4200] =	vst v63  }
0x38: {  	_ = 	snop  }
0x39: {  	[tilespmem:s15], [sflag:$0x1] =	stream.indirect_vreg.gather [hbm4b:s1+s3], $0x80, v3, vm0, $0xb8;
	[tilespmem:$0x4200] =	vst v63  }
0x3a: {  	_ =	swait.ge [sflag:s16], $0x4000  }
0x3b: {  	p0 =	sne.s32 s6, $0x1;
	[sflag:s16] =	ssyncset.done $0x0  }
.Ltmp0:
0x3c: {  	[sflag:s16] =	ssyncadd.s32 $0xFFFFC000;
	(pc) =	sbr.rel @p0 .LBB2_1-.Ltmp0, $4  }
0x3d: {  	[hbm4b:s5+s3] =	stream.linear.scatter [tilespmem:s8], [sflag:$0x2], $0x4000, $0x38;
	[tilespmem:$0x4200] =	vst v63  }
0x3e: {  	_ =	swait.ge [sflag:s17], $0x4000  }
0x3f: {  	[sflag:s17] =	ssyncset.done $0x0  }
0x40: {  	s6 =	sadd.s32 $0xFFFFFFFF, s6;
	[sflag:s17] =	ssyncadd.s32 $0xFFFFC000  }
0x41: {  	_ =	sfence.sel $0x180000  }
0x42: {  	[bflag:$0x0] =	sbarrier.arrive $0xFFFF  }
0x43: {  	p0 =	sne.s32 s2, $0x0;
	_ =	strace $0x90000047  }
0x44: {  	s0 =	sadd.s32 @!p0 $0x100000, s0;
	[bflag:$0x2] =	sbarrier.arrive $0xFFFF  }
0x45: {  	[sflag:s0] =	ssyncadd.tile.s32 @!p0 $0x1;
	_ =	shalt  }
.Lfunc_end2:
_tile_overlayer_lowered:
.L_overlay_start_2:
0x46: {  	(tag) =	ssettag $0x2  }
0x47: {  	s0 =	rddreg [dreg:$0x0];
	s2 =	stileid.u32  }
0x48: {  	s1 =	rddreg [dreg:$0x1];
	p0 =	sne.s32 s2, $0x0  }
0x49: {  	s3 =	rddreg [dreg:$0x2];
	[bflag:$0x3] =	sbarrier.arrive $0xFFFF;
	s2 =	simm.s32 @!p0 $0x1C03  }
0x4a: {  	[timem:s3], [sflag:s2] =	dma.local @!p0 [hbm:s0], s1  }
0x4b: {  	s0 =	simm.s32 @!p0 $0x3  }
0x4c: {  	_ =	swait.ge @!p0 [sflag:s0], s1  }
0x4d: {  	s1 =	ssub.s32 @!p0 $0x0, s1;
	[sflag:s0] =	ssyncset.done @!p0 $0x0  }
0x4e: {  	[sflag:s0] =	ssyncadd.s32 @!p0 s1  }
0x4f: {  	[bflag:$0x3] =	sbarrier.arrive $0xFFFF  }
0x50: {  	_ =	shalt  }

</sc_bundles>
